<compile_context>
chip_gen: v7x
topology: tpu7x:2x2x1
jax: 0.10.2.dev20260603
libtpu: 0.0.44.dev20260713+nightly
codegen_flags: <defaults>
</compile_context>

<pallas_src>
import functools
import jax
import jax.numpy as jnp
from jax.experimental import pallas as pl
from jax.experimental.pallas import tpu as pltpu

N = 10000
K = 30
P = 2

_RB = 400


def _rowsum_kernel(a_ref, o_ref):
    o_ref[...] = jnp.sum(a_ref[...], axis=1, keepdims=True)


def _rowsum(a):
    return pl.pallas_call(
        _rowsum_kernel,
        grid=(N // _RB,),
        in_specs=[pl.BlockSpec((_RB, N), lambda i: (i, 0))],
        out_specs=pl.BlockSpec((_RB, 1), lambda i: (i, 0)),
        out_shape=jax.ShapeDtypeStruct((N, 1), jnp.float32),
        compiler_params=pltpu.CompilerParams(
            dimension_semantics=("parallel",)),
    )(a)


def _mm_scaled_kernel(a_ref, b_ref, scale_ref, bias_ref, o_ref, *, relu):
    r = jnp.dot(a_ref[...], b_ref[...], preferred_element_type=jnp.float32)
    r = r * scale_ref[...] + bias_ref[...]
    o_ref[...] = jnp.maximum(r, 0.0) if relu else r


def _mm_scaled(a, b, scale, bias, relu):
    d = b.shape[1]
    return pl.pallas_call(
        functools.partial(_mm_scaled_kernel, relu=relu),
        grid=(N // _RB,),
        in_specs=[
            pl.BlockSpec((_RB, N), lambda i: (i, 0)),
            pl.BlockSpec((N, d), lambda i: (0, 0)),
            pl.BlockSpec((_RB, 1), lambda i: (i, 0)),
            pl.BlockSpec((1, d), lambda i: (0, 0)),
        ],
        out_specs=pl.BlockSpec((_RB, d), lambda i: (i, 0)),
        out_shape=jax.ShapeDtypeStruct((N, d), jnp.float32),
        compiler_params=pltpu.CompilerParams(
            dimension_semantics=("parallel",)),
    )(a, b, scale, bias)


def kernel(input, Adj, W_enc1, b_enc1, W_enc2, b_enc2, metric_w,
           W_t1, b_t1, W_t2, b_t2):
    deg = jnp.sum(Adj, axis=1)
    dinv = jnp.where(deg > 0, 1.0 / jnp.sqrt(deg), 0.0)
    nA = Adj * dinv[:, None] * dinv[None, :]
    h = jax.nn.relu(nA @ (input @ W_enc1) + b_enc1)
    emb = nA @ (h @ W_enc2) + b_enc2
    S = jnp.zeros((N, N), dtype=jnp.float32)
    for p in range(P):
        hp = emb * metric_w[p]
        hp = hp / (jnp.linalg.norm(hp, axis=1, keepdims=True) + 1e-12)
        S = S + hp @ hp.T
    S = S / P
    vals, idx = jax.lax.top_k(S, K)
    rows = jnp.broadcast_to(jnp.arange(N)[:, None], (N, K))
    A_new = jnp.zeros((N, N), dtype=jnp.float32).at[rows, idx].set(vals)
    A_sym = 0.5 * (A_new + A_new.T)
    A_final = A_sym + Adj

    deg_f = _rowsum(A_final)
    dinv_f = jnp.where(deg_f > 0, 1.0 / jnp.sqrt(deg_f), 0.0)
    z1 = dinv_f * (input @ W_t1)
    x1 = _mm_scaled(A_final, z1, dinv_f, b_t1.reshape(1, -1), relu=True)
    z2 = dinv_f * (x1 @ W_t2)
    out = _mm_scaled(A_final, z2, dinv_f, b_t2.reshape(1, -1), relu=False)
    return (out, A_sym, A_final, emb)

# --- scband reference (transcript-rebuilt; emitter-appended) ---
"""Pipeline reference for scband-ggsl-52527450030083 (READ-ONLY COPY).

The authoritative reference and input builder live on the scoring server;
editing this copy changes nothing except your own understanding.
"""

import jax, jax.numpy as jnp
import numpy as np

N = 10000
F = 128
H1 = 256
H2 = 128
NH = 128
C = 16
K = 30
P = 2


def _norm_adj(A):
    deg = jnp.sum(A, axis=1)
    dinv = jnp.where(deg > 0, 1.0 / jnp.sqrt(deg), 0.0)
    return A * dinv[:, None] * dinv[None, :]


def setup_inputs(seed: int = 0):
    key = jax.random.key(seed)
    ks = jax.random.split(key, 12)
    inp = {}
    inp["input"] = jax.random.normal(ks[0], (N, F), dtype=jnp.float32)
    inp["Adj"] = jax.random.uniform(ks[1], (N, N), dtype=jnp.float32)
    inp["W_enc1"] = jax.random.normal(ks[2], (F, H1), dtype=jnp.float32) * 0.05
    inp["b_enc1"] = jnp.zeros((H1,), dtype=jnp.float32)
    inp["W_enc2"] = jax.random.normal(ks[3], (H1, H2), dtype=jnp.float32) * 0.05
    inp["b_enc2"] = jnp.zeros((H2,), dtype=jnp.float32)
    inp["metric_w"] = jax.random.uniform(ks[4], (P, H2), dtype=jnp.float32)
    inp["W_t1"] = jax.random.normal(ks[5], (F, NH), dtype=jnp.float32) * 0.05
    inp["b_t1"] = jnp.zeros((NH,), dtype=jnp.float32)
    inp["W_t2"] = jax.random.normal(ks[6], (NH, C), dtype=jnp.float32) * 0.05
    inp["b_t2"] = jnp.zeros((C,), dtype=jnp.float32)
    return inp


def reference(input, Adj, W_enc1, b_enc1, W_enc2, b_enc2, metric_w, W_t1, b_t1, W_t2, b_t2):
    # normalize_a: symmetric degree normalization, no self-loops
    nA = _norm_adj(Adj)
    # encoder: 2-layer GCN (F -> H1 -> H2)
    h = jax.nn.relu(nA @ (input @ W_enc1) + b_enc1)
    emb = nA @ (h @ W_enc2) + b_enc2
    # GeneralizedMetric: multi-perspective weighted cosine similarity (normalize=True)
    S = jnp.zeros((N, N), dtype=jnp.float32)
    for p in range(P):
        hp = emb * metric_w[p]
        hp = hp / (jnp.linalg.norm(hp, axis=1, keepdims=True) + 1e-12)
        S = S + hp @ hp.T
    S = S / P
    # KNN postprocess: keep top-K entries per row
    vals, idx = jax.lax.top_k(S, K)
    rows = jnp.broadcast_to(jnp.arange(N)[:, None], (N, K))
    A_new = jnp.zeros((N, N), dtype=jnp.float32).at[rows, idx].set(vals)
    # Symmetry(1)
    A_sym = 0.5 * (A_new + A_new.T)
    # Interpolate(1, 1): fuse learned graph with original adjacency
    A_final = A_sym + Adj
    nAf = _norm_adj(A_final)
    # conv_task: 2-layer GCN (F -> NH -> C)
    x1 = jax.nn.relu(nAf @ (input @ W_t1) + b_t1)
    out = nAf @ (x1 @ W_t2) + b_t2
    return (out, A_sym, A_final, emb)

if __name__ == "__main__":
    import jax
    _d = setup_inputs()
    print(jax.jit(kernel)(*tuple(_d.values())))

</pallas_src>

<mosaic_0001>
module attributes {stable_mosaic.version = 14 : i64} {
  func.func @_rowsum_kernel(%arg0: i32, %arg1: memref<400x10000xf32, #tpu.memory_space<vmem>>, %arg2: memref<400x1xf32, #tpu.memory_space<vmem>>) attributes {dimension_semantics = [#tpu.dimension_semantics<parallel>], iteration_bounds = array<i64: 25>, scalar_prefetch = 0 : i64, scratch_operands = 0 : i64, tpu.core_type = #tpu.core_type<tc>, window_params = [{transform_indices = @transform_0, window_bounds = array<i64: 400, 10000>}, {transform_indices = @transform_1, window_bounds = array<i64: 400, 1>}]} {
    %get3A = arith.constant 0 : index
    %get3A_0 = arith.constant 0 : index
    %get3A_1 = vector.load %arg1[%get3A, %get3A_0] : memref<400x10000xf32, #tpu.memory_space<vmem>>, vector<400x10000xf32>
    %reduce_sum3A = arith.constant dense<0.000000e+00> : vector<400xf32>
    %reduce_sum3A_2 = vector.multi_reduction <add>, %get3A_1, %reduce_sum3A [1] : vector<400x10000xf32> to vector<400xf32>
    %broadcast_in_dim3A = vector.shape_cast %reduce_sum3A_2 : vector<400xf32> to vector<400x1xf32>
    %swap3A = arith.constant 0 : index
    %swap3A_3 = arith.constant 0 : index
    %swap3A_4 = vector.load %arg2[%swap3A, %swap3A_3] : memref<400x1xf32, #tpu.memory_space<vmem>>, vector<400x1xf32>
    tpu.vector_store %arg2[%swap3A, %swap3A_3], %broadcast_in_dim3A {strides = array<i32>} : memref<400x1xf32, #tpu.memory_space<vmem>>, vector<400x1xf32>,
    return
  }
  func.func @transform_0(%arg0: i32) -> (i32, i32) {
    %c0_i32 = arith.constant 0 : i32
    %c0_i32_0 = arith.constant 0 : i32
    return %arg0, %c0_i32 : i32, i32
  }
  func.func @transform_1(%arg0: i32) -> (i32, i32) {
    %c0_i32 = arith.constant 0 : i32
    %c0_i32_0 = arith.constant 0 : i32
    return %arg0, %c0_i32 : i32, i32
  }
}

module attributes {stable_mosaic.version = 14 : i64} {
  func.func @_mm_scaled_kernel(%arg0: i32, %arg1: memref<400x10000xf32, #tpu.memory_space<vmem>>, %arg2: memref<10000x128xf32, #tpu.memory_space<vmem>>, %arg3: memref<400x1xf32, #tpu.memory_space<vmem>>, %arg4: memref<1x128xf32, #tpu.memory_space<vmem>>, %arg5: memref<400x128xf32, #tpu.memory_space<vmem>>) attributes {dimension_semantics = [#tpu.dimension_semantics<parallel>], iteration_bounds = array<i64: 25>, scalar_prefetch = 0 : i64, scratch_operands = 0 : i64, tpu.core_type = #tpu.core_type<tc>, window_params = [{transform_indices = @transform_0, window_bounds = array<i64: 400, 10000>}, {pipeline_mode = #tpu.pipeline_mode<synchronous>, transform_indices = @transform_1, window_bounds = array<i64: 10000, 128>}, {transform_indices = @transform_2, window_bounds = array<i64: 400, 1>}, {pipeline_mode = #tpu.pipeline_mode<synchronous>, transform_indices = @transform_3, window_bounds = array<i64: 1, 128>}, {transform_indices = @transform_4, window_bounds = array<i64: 400, 128>}]} {
    %get3A = arith.constant 0 : index
    %get3A_0 = arith.constant 0 : index
    %get3A_1 = vector.load %arg1[%get3A, %get3A_0] : memref<400x10000xf32, #tpu.memory_space<vmem>>, vector<400x10000xf32>
    %get3A_2 = arith.constant 0 : index
    %get3A_3 = arith.constant 0 : index
    %get3A_4 = vector.load %arg2[%get3A_2, %get3A_3] : memref<10000x128xf32, #tpu.memory_space<vmem>>, vector<10000x128xf32>
    %dot_general3A = arith.constant dense<0.000000e+00> : vector<400x128xf32>
    %dot_general3A_5 = tpu.matmul %get3A_1, %get3A_4, %dot_general3A {dimension_numbers = #tpu.dot_dimension_numbers<[1], [0], [0], [1], [0, 0, 1, 1], [], []>, transpose_lhs_hint = false} : vector<400x10000xf32>, vector<10000x128xf32>, vector<400x128xf32> -> vector<400x128xf32>
    %get3A_6 = arith.constant 0 : index
    %get3A_7 = arith.constant 0 : index
    %get3A_8 = vector.load %arg3[%get3A_6, %get3A_7] : memref<400x1xf32, #tpu.memory_space<vmem>>, vector<400x1xf32>
    %mul3A = vector.broadcast %get3A_8 : vector<400x1xf32> to vector<400x128xf32>
    %mul3A_9 = arith.mulf %dot_general3A_5, %mul3A : vector<400x128xf32>
    %get3A_10 = arith.constant 0 : index
    %get3A_11 = arith.constant 0 : index
    %get3A_12 = vector.load %arg4[%get3A_10, %get3A_11] : memref<1x128xf32, #tpu.memory_space<vmem>>, vector<1x128xf32>
    %add3A = vector.broadcast %get3A_12 : vector<1x128xf32> to vector<400x128xf32>
    %add3A_13 = arith.addf %mul3A_9, %add3A : vector<400x128xf32>
    %max3A = arith.constant 0.000000e+00 : f32
    %max3A_14 = vector.broadcast %max3A : f32 to vector<400x128xf32>
    %max3A_15 = arith.maximumf %add3A_13, %max3A_14 : vector<400x128xf32>
    %swap3A = arith.constant 0 : index
    %swap3A_16 = arith.constant 0 : index
    %swap3A_17 = vector.load %arg5[%swap3A, %swap3A_16] : memref<400x128xf32, #tpu.memory_space<vmem>>, vector<400x128xf32>
    tpu.vector_store %arg5[%swap3A, %swap3A_16], %max3A_15 {strides = array<i32>} : memref<400x128xf32, #tpu.memory_space<vmem>>, vector<400x128xf32>,
    return
  }
  func.func @transform_0(%arg0: i32) -> (i32, i32) {
    %c0_i32 = arith.constant 0 : i32
    %c0_i32_0 = arith.constant 0 : i32
    return %arg0, %c0_i32 : i32, i32
  }
  func.func @transform_1(%arg0: i32) -> (i32, i32) {
    %c0_i32 = arith.constant 0 : i32
    %c0_i32_0 = arith.constant 0 : i32
    %c0_i32_1 = arith.constant 0 : i32
    return %c0_i32, %c0_i32_0 : i32, i32
  }
  func.func @transform_2(%arg0: i32) -> (i32, i32) {
    %c0_i32 = arith.constant 0 : i32
    %c0_i32_0 = arith.constant 0 : i32
    return %arg0, %c0_i32 : i32, i32
  }
  func.func @transform_3(%arg0: i32) -> (i32, i32) {
    %c0_i32 = arith.constant 0 : i32
    %c0_i32_0 = arith.constant 0 : i32
    %c0_i32_1 = arith.constant 0 : i32
    return %c0_i32, %c0_i32_0 : i32, i32
  }
  func.func @transform_4(%arg0: i32) -> (i32, i32) {
    %c0_i32 = arith.constant 0 : i32
    %c0_i32_0 = arith.constant 0 : i32
    return %arg0, %c0_i32 : i32, i32
  }
}

module attributes {stable_mosaic.version = 14 : i64} {
  func.func @_mm_scaled_kernel(%arg0: i32, %arg1: memref<400x10000xf32, #tpu.memory_space<vmem>>, %arg2: memref<10000x16xf32, #tpu.memory_space<vmem>>, %arg3: memref<400x1xf32, #tpu.memory_space<vmem>>, %arg4: memref<1x16xf32, #tpu.memory_space<vmem>>, %arg5: memref<400x16xf32, #tpu.memory_space<vmem>>) attributes {dimension_semantics = [#tpu.dimension_semantics<parallel>], iteration_bounds = array<i64: 25>, scalar_prefetch = 0 : i64, scratch_operands = 0 : i64, tpu.core_type = #tpu.core_type<tc>, window_params = [{transform_indices = @transform_0, window_bounds = array<i64: 400, 10000>}, {pipeline_mode = #tpu.pipeline_mode<synchronous>, transform_indices = @transform_1, window_bounds = array<i64: 10000, 16>}, {transform_indices = @transform_2, window_bounds = array<i64: 400, 1>}, {pipeline_mode = #tpu.pipeline_mode<synchronous>, transform_indices = @transform_3, window_bounds = array<i64: 1, 16>}, {transform_indices = @transform_4, window_bounds = array<i64: 400, 16>}]} {
    %get3A = arith.constant 0 : index
    %get3A_0 = arith.constant 0 : index
    %get3A_1 = vector.load %arg1[%get3A, %get3A_0] : memref<400x10000xf32, #tpu.memory_space<vmem>>, vector<400x10000xf32>
    %get3A_2 = arith.constant 0 : index
    %get3A_3 = arith.constant 0 : index
    %get3A_4 = vector.load %arg2[%get3A_2, %get3A_3] : memref<10000x16xf32, #tpu.memory_space<vmem>>, vector<10000x16xf32>
    %dot_general3A = arith.constant dense<0.000000e+00> : vector<400x16xf32>
    %dot_general3A_5 = tpu.matmul %get3A_1, %get3A_4, %dot_general3A {dimension_numbers = #tpu.dot_dimension_numbers<[1], [0], [0], [1], [0, 0, 1, 1], [], []>, transpose_lhs_hint = false} : vector<400x10000xf32>, vector<10000x16xf32>, vector<400x16xf32> -> vector<400x16xf32>
    %get3A_6 = arith.constant 0 : index
    %get3A_7 = arith.constant 0 : index
    %get3A_8 = vector.load %arg3[%get3A_6, %get3A_7] : memref<400x1xf32, #tpu.memory_space<vmem>>, vector<400x1xf32>
    %mul3A = vector.broadcast %get3A_8 : vector<400x1xf32> to vector<400x16xf32>
    %mul3A_9 = arith.mulf %dot_general3A_5, %mul3A : vector<400x16xf32>
    %get3A_10 = arith.constant 0 : index
    %get3A_11 = arith.constant 0 : index
    %get3A_12 = vector.load %arg4[%get3A_10, %get3A_11] : memref<1x16xf32, #tpu.memory_space<vmem>>, vector<1x16xf32>
    %add3A = vector.broadcast %get3A_12 : vector<1x16xf32> to vector<400x16xf32>
    %add3A_13 = arith.addf %mul3A_9, %add3A : vector<400x16xf32>
    %swap3A = arith.constant 0 : index
    %swap3A_14 = arith.constant 0 : index
    %swap3A_15 = vector.load %arg5[%swap3A, %swap3A_14] : memref<400x16xf32, #tpu.memory_space<vmem>>, vector<400x16xf32>
    tpu.vector_store %arg5[%swap3A, %swap3A_14], %add3A_13 {strides = array<i32>} : memref<400x16xf32, #tpu.memory_space<vmem>>, vector<400x16xf32>,
    return
  }
  func.func @transform_0(%arg0: i32) -> (i32, i32) {
    %c0_i32 = arith.constant 0 : i32
    %c0_i32_0 = arith.constant 0 : i32
    return %arg0, %c0_i32 : i32, i32
  }
  func.func @transform_1(%arg0: i32) -> (i32, i32) {
    %c0_i32 = arith.constant 0 : i32
    %c0_i32_0 = arith.constant 0 : i32
    %c0_i32_1 = arith.constant 0 : i32
    return %c0_i32, %c0_i32_0 : i32, i32
  }
  func.func @transform_2(%arg0: i32) -> (i32, i32) {
    %c0_i32 = arith.constant 0 : i32
    %c0_i32_0 = arith.constant 0 : i32
    return %arg0, %c0_i32 : i32, i32
  }
  func.func @transform_3(%arg0: i32) -> (i32, i32) {
    %c0_i32 = arith.constant 0 : i32
    %c0_i32_0 = arith.constant 0 : i32
    %c0_i32_1 = arith.constant 0 : i32
    return %c0_i32, %c0_i32_0 : i32, i32
  }
  func.func @transform_4(%arg0: i32) -> (i32, i32) {
    %c0_i32 = arith.constant 0 : i32
    %c0_i32_0 = arith.constant 0 : i32
    return %arg0, %c0_i32 : i32, i32
  }
}

</mosaic_0001>

<sc_bundles>
// kernel: sparse-core-data-format-call.cloned.1.call-start
scs
called_computation_lowered:
.L_overlay_start_0:
0x0: {  	s2 =	sld [smem:$0x3FD9]  }
0x1: {  	s3 =	sld [smem:$0x3FFE];
	_ =	sdelay $0x1  }
0x2: {  	s1 =	srdreg.scid  }
0x3: {  	s0 =	sand.u32 $0x1, s1  }
0x4: {  	s15 =	sshll.u32 s0, $0xA;
	s2 =	sadd.s32 s3, s2  }
0x5: {  	s2 =	sadd.s32 s2, s15  }
0x6: {  	[smem:$0x3FBD] =	sst s2  }
0x7: {  	_ = 	snop  }
0x8: {  	s2 =	sld [smem:$0x3FD0];
	_ =	sdelay $0x2  }
0x9: {  	s16 =	simm.s32 $0xA;
	s4 =	simm.s32 $0x10  }
0xa: {  	[smem:s4], [sflag:s16] =	dma.local [hbm:s2], $0x1  }
0xb: {  	_ =	swait.eq [sflag:s16], $0x1  }
0xc: {  	[sflag:s16] =	ssyncset.done $0x0  }
0xd: {  	[sflag:s16] =	ssyncadd.s32 $0xFFFFFFFF  }
0xe: {  	s17 =	sld [smem:$0x11];
	(tm) =	ssettm $0x1  }
0xf: {  	s18 =	sld [smem:$0x3FFB];
	_ =	sdelay $0x3  }
0x10: {  	_ =	strace s18  }
0x11: {  	s3 =	sld [smem:$0x3FFC];
	_ =	sdelay $0x3  }
0x12: {  	_ =	strace s3  }
0x13: {  	s3 =	sld [smem:$0x3FFD];
	_ =	sdelay $0x3  }
0x14: {  	_ =	strace s3  }
0x15: {  	_ =	strace $0x8FFFFFFF  }
0x16: {  	s19 =	sld [smem:$0x3FDB];
	_ =	sdelay $0x1  }
0x17: {  	s20 =	simm.s32 $_scs_section_size  }
0x18: {  	s5 =	simm.s32 $_size__tile_overlayer_lowered;
	s6 =	simm.s32 $_tile_overlayer_lowered  }
0x19: {  	s23 =	simm.s32 $0x1BFF;
	s22 =	sshll.u32 s6, $0x1;
	s3 =	sadd.s32 s20, s19  }
0x1a: {  	s7 =	simm.s32 $0x0;
	s21 =	sshll.u32 s5, $0x1;
	s5 =	sadd.s32 s22, s3  }
0x1b: {  	[timem:s7], [sflag:s23] =	dma.local [hbm:s5], s21  }
0x1c: {  	_ =	swait.ge [sflag:s23], s21  }
0x1d: {  	s4 =	ssub.s32 $0x0, s21;
	[sflag:s23] =	ssyncset.done $0x0  }
0x1e: {  	[sflag:s23] =	ssyncadd.s32 s4;
	_ =	sdelay $0x1  }
0x1f: {  	s24 =	simm.s32 $0x1B8B  }
0x20: {  	_ =	swait.ge [sflag:s24], $0x1  }
0x21: {  	[sflag:s24] =	ssyncset.done $0x0  }
0x22: {  	s26 =	simm.s32 $0x1B8E;
	s25 =	sld [smem:$0x3FFE];
	[sflag:s24] =	ssyncadd.s32 $0xFFFFFFFF  }
0x23: {  	s27 =	simm.s32 $execute0_lowered;
	[smem:$0x3FD2] =	sst s26  }
0x24: {  	s5 =	sshll.u32 s27, $0x1;
	_ =	strace $0x80000046;
	[dreg:$0x1] =	wrdreg $0xFFFFFFFF  }
0x25: {  	s28 =	simm.s32 $_size_execute0_lowered;
	s3 =	sadd.s32 s3, s5;
	[dreg:$0x0] =	wrdreg $0x0  }
0x26: {  	s5 =	sshll.u32 s28, $0x1;
	[dreg:$0x2] =	wrdreg s3  }
0x27: {  	[dreg:$0x3] =	wrdreg s5  }
0x28: {  	[dreg:$0x4] =	wrdreg $0xC0  }
0x29: {  	_ =	task [dreg:s7], $0x5FFFF  }
0x2a: {  	[dreg:$0x1] =	wrdreg $0xFFFFFFFF  }
0x2b: {  	[dreg:$0x0] =	wrdreg $0x60  }
0x2c: {  	[dreg:$0x2] =	wrdreg s25  }
0x2d: {  	[dreg:$0x3] =	wrdreg s17  }
0x2e: {  	[dreg:$0x4] =	wrdreg $0x9  }
0x2f: {  	_ =	task.clear_ibuf [dreg:s7], $0x5FFFF;
	_ =	strace $0x90000046  }
0x30: {  	s29 =	simm.s32 $0x9;
	_ =	strace $0x80000048  }
0x31: {  	_ =	swait.ge [sflag:s29], $0x1  }
0x32: {  	[sflag:s29] =	ssyncadd.s32 $0xFFFFFFFF  }
0x33: {  	_ =	strace $0x90000048  }
0x34: {  	_ =	sfence  }
0x35: {  	s30 =	sld [smem:$0x0];
	_ =	sdelay $0x2  }
0x36: {  	s31 =	sshll.u32 s1, $0xD;
	s1 =	sshrl.u32 s1, $0x2  }
0x37: {  	s3 =	sand.u32 $0x4000, s31;
	s1 =	sadd.s32 s1, s30  }
0x38: {  	s0 =	sor.u32 s3, s0;
	s1 =	sshll.u32 s1, $0x11  }
0x39: {  	s0 =	sor.u32 s1, s0  }
0x3a: {  	s0 =	sadd.s32 $0x8F2B, s0  }
0x3b: {  	[sflag:s0] =	ssyncadd.remote.s32 $0x1  }
0x3c: {  	_ =	sfence.sel $0xFFFF  }
0x3d: {  	[dreg:$0x0] =	wrdreg $0xFFFFFFFF;
	(pc) =	sbr.abs _section_cstart, $3  }
0x3e: {  	[dreg:$0x1] =	wrdreg $0xFFFFFFFF  }
0x3f: {  	_ =	task.clear_ibuf [dreg:s7], $0x2FFFF;
	_ =	strace $0x9FFFFFFF  }
0x40: {  	(tm) =	ssettm $0x7FFFFFFF  }
0x41: {  	_ =	shalt  }
tec
execute0_lowered:
.L_overlay_start_1:
0x0: {  	(tag) =	ssettag $0x1  }
0x1: {  	s0 =	srdreg.scid  }
0x2: {  	s0 =	sshll.u32 s0, $0x4  }
0x3: {  	s1 =	stileid.u32;
	s0 =	sand.u32 $0x10, s0  }
0x4: {  	s0 =	sor.u32 s1, s0  }
0x5: {  	s12 =	sshll.u32 s0, $0x7  }
0x6: {  	s0 =	ssub.s32 $0x2700, s12  }
0x7: {  	s0 =	sshrl.u32 s0, $0xC  }
0x8: {  	_ =	strace $0x80000047;
	s29 =	simm.s32 $0x1;
	s0 =	smul.u32 $0x4F, s0  }
.Ltmp0:
0x9: {  	s30 =	simm.s32 $0x2;
	s15 =	simm.s32 $0x0;
	(pc) =	sbr.rel .LBB1_1-.Ltmp0, $4  }
0xa: {  	s14 =	simm.s32 $0x0;
	s9 =	simm.s32 $0x0;
	s11 =	simm.s32 $0x0  }
0xb: {  	s10 =	simm.s32 $0x0;
	[dreg:$0x3] =	wrdreg s12;
	s31 =	sadd.s32 $0x4F, s0  }
0xc: {  	[sflag:s29] =	ssyncpa.u1 $0x0;
	s8 =	sadd.s32 $0x50, s0;
	[dreg:$0x4] =	wrdreg s31  }
0xd: {  	s13 =	simm.s32 $0x0;
	[sflag:s30] =	ssyncpa.u1 $0x0;
	[dreg:$0x5] =	wrdreg s8  }
.LBB1_12:
0xe: {  	s9 =	rddreg [dreg:$0x6]  }
0xf: {  	s1 =	sshll.u32 s11, $0x3;
	s25 =	sand.u32 $0x7F, s11;
	s5 =	rddreg [dreg:$0xa]  }
0x10: {  	p1 =	sgt.s32 s11, $0x2700;
	s26 =	rddreg [dreg:$0x9];
	s0 =	sshrl.u32 s9, $0x3  }
0x11: {  	s4 =	smov.u32 s11;
	s30 =	rddreg [dreg:$0x1];
	s0 =	smul.u32 $0x13C00, s0  }
0x12: {  	s31 =	simm.s32 $0x13C00;
	s1 =	sand.u32 $0xFFFFFC00, s1;
	s2 =	sshll.u32 s9, $0x7  }
0x13: {  	s8 =	rddreg [dreg:$0x5];
	s24 =	sand.u32 $0x380, s2;
	s0 =	sadd.s32 s1, s0  }
0x14: {  	p0 =	sgt.s32 s9, $0x2690;
	s3 =	smov.u32 s9;
	s0 =	sor.u32 s24, s0  }
0x15: {  	s4 =	simm.s32 @!p1 $0x2700;
	s1 =	sor.u32 s25, s0;
	s0 =	smulhi.u32 $0xCF6474A9, s0  }
0x16: {  	s3 =	simm.s32 @!p0 $0x2690;
	s4 =	sadd.s32 s26, s4;
	s2 =	smulhi.u32 $0xCF6474A9, s1  }
0x17: {  	s3 =	sadd.s32 s5, s3;
	s7 =	sadd.s32 $0xFFFFD900, s4;
	s0 =	sshrl.u32 s0, $0xD  }
0x18: {  	s4 =	ssub.s32 $0x2780, s4;
	s2 =	sshrl.u32 s2, $0xD;
	s27 =	smulhi.u32 $0x68DB9, s0  }
0x19: {  	s6 =	sadd.s32 $0xFFFFD970, s3;
	p1 =	sgt.s32 s7, $0x7F;
	s2 =	smul.u32 $0x2780, s2  }
0x1a: {  	s3 =	ssub.s32 $0x2710, s3;
	p0 =	sgt.s32 s6, $0x7F;
	s5 =	smul.u32 $0x2710, s27  }
0x1b: {  	s14 =	rddreg [dreg:$0x7];
	s4 =	simm.s32 @p1 $0x0;
	s3 =	simm.s32 @p0 $0x0  }
0x1c: {  	s28 =	smul.u32 s4, s3;
	s1 =	ssub.s32 s1, s2;
	s0 =	ssub.s32 s0, s5  }
0x1d: {  	s29 =	sshrl.u32 s1, $0x3;
	s1 =	sand.u32 $0x7, s1;
	s0 =	smul.u32 $0x4F0, s0  }
0x1e: {  	s15 =	rddreg [dreg:$0x8];
	s3 =	sadd.s32 s30, s29;
	s1 =	sshll.u32 s1, $0x12  }
0x1f: {  	s2 =	sand.u32 $0x3FFFFFFF, s28;
	s1 =	sor.u32 $0x400, s1;
	s0 =	sadd.s32 s0, s3  }
0x20: {  	[hbm4b:s0+s1] =	stream.strided.scatter [tilespmem:s18], [sflag:$0x2], s2, s31, s1, $0x20;
	[tilespmem:$0x10100] =	vst v63  }
.LBB1_13:
0x21: {  	p0 =	slt.u32 s13, $0x2  }
0x22: {  	s1 =	smov.u32 s15;
	s2 =	smov.u32 s14;
	p1 =	sgt.s32 @!p0 s15, $0x2690  }
0x23: {  	s0 =	sshra.s32 @!p0 s15, $0x1F;
	p2 =	sgt.s32 @!p0 s14, $0x2700;
	s3 =	sshra.s32 @!p0 s14, $0x1F  }
0x24: {  	p1 =	por !p1, p0;
	s0 =	sand.u32 @!p0 s0, s15;
	p2 =	por !p2, p0  }
0x25: {  	s3 =	sand.u32 @!p0 s3, s14;
	s1 =	simm.s32 @p1 $0x2690;
	s2 =	simm.s32 @p2 $0x2700  }
0x26: {  	s0 =	ssub.s32 @!p0 s1, s0;
	s1 =	ssub.s32 @!p0 s2, s3  }
0x27: {  	s2 =	sadd.s32 @!p0 $0xFFFFD970, s0;
	s3 =	sadd.s32 @!p0 $0xFFFFD900, s1  }
0x28: {  	s0 =	ssub.s32 @!p0 $0x2710, s0;
	p1 =	sgt.s32 @!p0 s2, $0x7F;
	p2 =	sgt.s32 @!p0 s3, $0x7F  }
0x29: {  	s1 =	ssub.s32 @!p0 $0x2780, s1;
	p1 =	por !p1, p0;
	p2 =	por !p2, p0  }
0x2a: {  	s0 =	simm.s32 @!p1 $0x0;
	s1 =	simm.s32 @!p2 $0x0  }
0x2b: {  	s0 =	smul.u32 @!p0 s1, s0  }
0x2c: {  	s4 =	smov.u32 s12;
	s2 =	simm.s32 @!p0 $0x2;
	s1 =	sadd.s32 $0x80, s10  }
0x2d: {  	s3 =	sadd.s32 $0x1000, s12;
	p1 =	sgt.s32 s1, $0x270F;
	s0 =	sand.u32 @!p0 $0x3FFFFFFF, s0  }
0x2e: {  	s4 =	smov.u32 @p1 s3;
	_ =	swait.ge @!p0 [sflag:s2], s0  }
0x2f: {  	s1 =	simm.s32 @p1 $0x0;
	p1 =	sgt.s32 s4, $0x270F;
	s3 =	rddreg [dreg:$0x3]  }
0x30: {  	s4 =	smov.u32 @p1 s3;
	p1 =	sne.s32 s13, s8  }
.Ltmp1:
0x31: {  	_ = 	snop;
	(pc) =	sbr.rel @!p1 .LBB1_14-.Ltmp1, $4  }
0x32: {  	s15 =	smov.u32 s9  }
0x33: {  	s14 =	smov.u32 s11;
	s9 =	smov.u32 s10;
	s11 =	smov.u32 s12  }
0x34: {  	s0 =	ssub.s32 @!p0 $0x0, s0;
	s10 =	smov.u32 s1;
	[sflag:s2] =	ssyncset.done @!p0 $0x0  }
0x35: {  	s13 =	sadd.s32 $0x1, s13;
	[sflag:s2] =	ssyncadd.s32 @!p0 s0;
	s12 =	smov.u32 s4  }
.LBB1_1:
0x36: {  	s0 =	rddreg [dreg:$0x4]  }
0x37: {  	s3 =	smov.u32 s12;
	s5 =	smov.u32 s10;
	p0 =	sge.u32 s13, s0  }
0x38: {  	s0 =	sshrl.u32 @!p0 s12, $0x3;
	s1 =	sshll.u32 @!p0 s10, $0x3;
	s2 =	sshll.u32 @!p0 s12, $0x7  }
0x39: {  	p1 =	sgt.s32 @!p0 s12, $0x2690;
	s4 =	sshra.s32 @!p0 s12, $0x1F;
	s6 =	sshra.s32 @!p0 s10, $0x1F  }
0x3a: {  	s0 =	smul.u32 @!p0 $0x13C00, s0;
	s1 =	sand.u32 @!p0 $0xFFFFFC00, s1;
	p1 =	por !p1, p0  }
0x3b: {  	s4 =	sand.u32 @!p0 s4, s12;
	s6 =	sand.u32 @!p0 s6, s10;
	s3 =	simm.s32 @p1 $0x2690  }
0x3c: {  	p1 =	sgt.s32 @!p0 s10, $0x2700;
	s0 =	sadd.s32 @!p0 s0, s1;
	s1 =	sand.u32 @!p0 $0x380, s2  }
0x3d: {  	s2 =	sand.u32 @!p0 $0x7F, s10;
	p1 =	por !p1, p0;
	s0 =	sor.u32 @!p0 s1, s0  }
0x3e: {  	s3 =	ssub.s32 @!p0 s3, s4;
	s5 =	simm.s32 @p1 $0x2700;
	s1 =	sor.u32 @!p0 s2, s0  }
0x3f: {  	s0 =	smulhi.u32 @!p0 $0xCF6474A9, s0;
	s4 =	ssub.s32 @!p0 s5, s6;
	s6 =	sadd.s32 @!p0 $0xFFFFD970, s3  }
0x40: {  	s3 =	ssub.s32 @!p0 $0x2710, s3;
	s2 =	smulhi.u32 @!p0 $0xCF6474A9, s1;
	s7 =	sadd.s32 @!p0 $0xFFFFD900, s4  }
0x41: {  	p1 =	sgt.s32 @!p0 s6, $0x7F;
	s4 =	ssub.s32 @!p0 $0x2780, s4;
	s0 =	sshrl.u32 @!p0 s0, $0xD  }
0x42: {  	p2 =	sgt.s32 @!p0 s7, $0x7F;
	s2 =	sshrl.u32 @!p0 s2, $0xD;
	s5 =	smulhi.u32 @!p0 $0x68DB9, s0  }
0x43: {  	p1 =	por !p1, p0;
	p2 =	por !p2, p0;
	s2 =	smul.u32 @!p0 $0x2780, s2  }
0x44: {  	s3 =	simm.s32 @!p1 $0x0;
	s4 =	simm.s32 @!p2 $0x0  }
0x45: {  	s5 =	smul.u32 @!p0 $0x2710, s5;
	s1 =	ssub.s32 @!p0 s1, s2;
	s2 =	sxor.u32 @!p0 $0xFFFFFFFF, s13  }
0x46: {  	s3 =	smul.u32 @!p0 s3, s4;
	s2 =	sshll.u32 @!p0 s2, $0xE  }
0x47: {  	s0 =	ssub.s32 @!p0 s0, s5;
	s4 =	sshrl.u32 @!p0 s1, $0x3;
	s1 =	sand.u32 @!p0 $0x7, s1  }
0x48: {  	s3 =	sand.u32 @!p0 $0x3FFFFFFF, s3;
	s5 =	rddreg [dreg:$0x0];
	s0 =	smul.u32 @!p0 $0x4F0, s0  }
0x49: {  	s2 =	sand.u32 @!p0 $0x4000, s2;
	s4 =	sadd.s32 @!p0 s5, s4;
	s1 =	sshll.u32 @!p0 s1, $0x12  }
0x4a: {  	s1 =	sor.u32 @!p0 $0x400, s1;
	s0 =	sadd.s32 @!p0 s0, s4;
	s4 =	simm.s32 @!p0 $0x13C00  }
0x4b: {  	[tilespmem:s2], [sflag:$0x1] =	stream.strided.gather @!p0 [hbm4b:s0+s1], s3, s4, s1, $0x38;
	[tilespmem:$0x10100] =	vst v63  }
0x4c: {  	p0 =	seq.s32 s13, $0x0  }
0x4d: {  	p1 =	sge.u32 @!p0 s13, s8  }
0x4e: {  	p0 =	por p0, p1  }
.Ltmp2:
0x4f: {  	_ = 	snop;
	(pc) =	sbr.rel @p0 .LBB1_13-.Ltmp2, $1  }
0x50: {  	_ =	sdelay $0x3  }
0x51: {  	s0 =	ssub.s32 $0x0, s11;
	s1 =	sshra.s32 s11, $0x1F;
	p0 =	sgt.s32 s11, $0x2690  }
0x52: {  	s2 =	smov.u32 s11;
	s25 =	ssub.s32 $0x0, s9;
	s26 =	sshra.s32 s9, $0x1F  }
0x53: {  	s3 =	smov.u32 s9;
	s2 =	simm.s32 @!p0 $0x2690;
	p0 =	sgt.s32 s9, $0x2700  }
0x54: {  	s4 =	sand.u32 s0, s1;
	s1 =	sand.u32 s25, s26;
	s3 =	simm.s32 @!p0 $0x2700  }
0x55: {  	s2 =	sadd.s32 s4, s2;
	[dreg:$0xa] =	wrdreg s1;
	s1 =	sadd.s32 s1, s3  }
0x56: {  	s27 =	sadd.s32 $0xFFFFD970, s2;
	s2 =	ssub.s32 $0x2710, s2;
	s28 =	sadd.s32 $0xFFFFD900, s1  }
0x57: {  	p0 =	sgt.s32 s27, $0x7F;
	s0 =	ssub.s32 $0x2780, s1;
	p1 =	sgt.s32 s28, $0x7F  }
0x58: {  	s2 =	simm.s32 @p0 $0x0;
	s0 =	simm.s32 @p1 $0x0  }
0x59: {  	s29 =	smul.u32 s2, s0;
	s2 =	sadd.s32 $0x80, s11  }
0x5a: {  	p0 =	slt.s32 s2, $0x2710  }
0x5b: {  	s2 =	simm.s32 @!p0 $0x2710  }
0x5c: {  	[dreg:$0x8] =	wrdreg s15;
	s19 =	ssub.s32 s2, s11  }
0x5d: {  	[dreg:$0x7] =	wrdreg s14;
	p0 =	slt.s32 s19, $0x1  }
.Ltmp3:
0x5e: {  	[dreg:$0x6] =	wrdreg s9;
	s30 =	simm.s32 $0x1;
	(pc) =	sbr.rel @p0 .LBB1_12-.Ltmp3, $4  }
0x5f: {  	[dreg:$0x9] =	wrdreg s4;
	s0 =	sand.u32 $0x1, s13;
	s1 =	sand.u32 $0x3FFFFFFF, s29  }
0x60: {  	s31 =	smul.u32 $0x4080, s0;
	_ =	swait.ge [sflag:s30], s1  }
0x61: {  	s1 =	ssub.s32 $0x0, s1;
	[sflag:s30] =	ssyncset.done $0x0  }
0x62: {  	s18 =	sor.u32 $0x8000, s31;
	[sflag:s30] =	ssyncadd.s32 s1  }
0x63: {  	s2 =	rddreg [dreg:$0x6]  }
0x64: {  	s1 =	sadd.s32 $0x80, s2  }
0x65: {  	p0 =	slt.s32 s1, $0x2710  }
.Ltmp4:
0x66: {  	s1 =	simm.s32 @!p0 $0x2710;
	(pc) =	sbr.rel .LBB1_4-.Ltmp4, $4  }
0x67: {  	s22 =	sshll.u32 s0, $0xE;
	s1 =	ssub.s32 s1, s2  }
0x68: {  	s24 =	simm.s32 $0x0;
	s25 =	simm.s32 $0x400;
	s1 =	sadd.s32 $0xF, s1  }
0x69: {  	s20 =	sand.u32 $0xFFFFFFF0, s1;
	s21 =	sand.u32 $0xFFFFFF00, s1;
	s31 =	sshll.u32 s1, $0x3  }
0x6a: {  	p0 =	slt.s32 s1, $0x100;
	s23 =	sand.u32 $0xFFFFF800, s31;
	p1 =	sge.s32 s21, s20  }
.LBB1_11:
0x6b: {  	s24 =	sadd.s32 $0x1, s24  }
0x6c: {  	p2 =	sne.s32 s24, s19  }
.Ltmp5:
0x6d: {  	_ = 	snop;
	(pc) =	sbr.rel @!p2 .LBB1_12-.Ltmp5, $2  }
0x6e: {  	_ =	sdelay $0x2  }
0x6f: {  	s25 =	sadd.s32 $0x80, s25  }
.LBB1_4:
.Ltmp6:
0x70: {  	(pc) =	sbr.rel @p0 .LBB1_8-.Ltmp6, $2  }
0x71: {  	_ =	sdelay $0x2  }
0x72: {  	s26 =	sshll.u32 s24, $0x7;
	s27 =	sand.u32 $0x7F, s24  }
0x73: {  	s0 =	sshll.u32 s24, $0x3;
	s5 =	sand.u32 $0x380, s26  }
0x74: {  	s2 =	sshrl.u32 s0, $0x7;
	s3 =	sadd.s32 $0x800, s0;
	s6 =	sadd.s32 $0x1000, s0  }
0x75: {  	s17 =	sadd.s32 s5, s22;
	s16 =	sadd.s32 $0x1800, s0;
	s7 =	sadd.s32 $0x2800, s0  }
0x76: {  	s14 =	sadd.s32 $0x3000, s0;
	s0 =	sadd.s32 $0x3800, s0;
	s1 =	sand.u32 $0x78, s2  }
0x77: {  	s3 =	sshrl.u32 s3, $0x7;
	s15 =	sshrl.u32 s6, $0x7;
	s6 =	sshrl.u32 s16, $0x7  }
0x78: {  	s8 =	sshrl.u32 s7, $0x7;
	s16 =	sshrl.u32 s0, $0x7;
	s7 =	sadd.s32 $0x10, s2  }
0x79: {  	v0 =	vmov s17;
	s17 =	sand.u32 $0x3C00, s25;
	s4 =	smul.u32 $0x204, s1;
	s3 =	sand.u32 $0x78, s3  }
0x7a: {  	s5 =	sand.u32 $0x78, s15;
	s1 =	sxor.u32 $0x40, s1;
	s3 =	smul.u32 $0x204, s3  }
0x7b: {  	s15 =	sshrl.u32 s14, $0x7;
	s14 =	sadd.s32 $0x60, s2;
	s5 =	smul.u32 $0x204, s5  }
0x7c: {  	s1 =	smul.u32 $0x204, s1;
	s14 =	sand.u32 $0x78, s14;
	s4 =	sshrl.u32 s4, $0x2  }
0x7d: {  	s14 =	smul.u32 $0x204, s14;
	s4 =	sadd.s32 s4, s18;
	s3 =	sshrl.u32 s3, $0x2  }
0x7e: {  	s1 =	sshrl.u32 s1, $0x2;
	s3 =	sadd.s32 s3, s18;
	s28 =	sadd.s32 s27, s4  }
0x7f: {  	s4 =	sand.u32 $0x78, s6;
	s6 =	sshrl.u32 s5, $0x2;
	s9 =	sadd.s32 s1, s18  }
0x80: {  	s5 =	sand.u32 $0x78, s7;
	s7 =	sadd.s32 $0x50, s2;
	s29 =	sadd.s32 s27, s3  }
0x81: {  	s3 =	smul.u32 $0x204, s4;
	s4 =	sadd.s32 s6, s18;
	s31 =	sadd.s32 s27, s9  }
0x82: {  	s5 =	smul.u32 $0x204, s5;
	s30 =	sadd.s32 s27, s4;
	s4 =	sand.u32 $0x78, s8  }
0x83: {  	s6 =	sand.u32 $0x78, s16;
	s7 =	sand.u32 $0x78, s7;
	s4 =	smul.u32 $0x204, s4  }
0x84: {  	s16 =	sadd.s32 $0x30, s2;
	s8 =	sadd.s32 $0x20, s2;
	s7 =	smul.u32 $0x204, s7  }
0x85: {  	s2 =	sadd.s32 $0x70, s2;
	s3 =	sshrl.u32 s3, $0x2;
	s4 =	sshrl.u32 s4, $0x2  }
0x86: {  	s5 =	sshrl.u32 s5, $0x2;
	s2 =	sand.u32 $0x78, s2;
	s4 =	sadd.s32 s4, s18  }
0x87: {  	s9 =	sadd.s32 s5, s18;
	s0 =	sadd.s32 s27, s4;
	s4 =	smul.u32 $0x204, s6  }
0x88: {  	s5 =	sand.u32 $0x78, s16;
	s16 =	smul.u32 $0x204, s2;
	s6 =	sand.u32 $0x78, s8  }
0x89: {  	s3 =	sadd.s32 s3, s18;
	s6 =	smul.u32 $0x204, s6;
	s4 =	sshrl.u32 s4, $0x2  }
0x8a: {  	v1 =	vld.idx.msk [tilespmem:v0+s17+$0x0 ss:$0x1], $0xffff;
	s7 =	sshrl.u32 s7, $0x2;
	s1 =	sadd.s32 s27, s3;
	s4 =	sadd.s32 s4, s18  }
0x8b: {  	s3 =	sand.u32 $0x78, s15;
	s6 =	sshrl.u32 s6, $0x2;
	s8 =	sadd.s32 s27, s4  }
0x8c: {  	s15 =	sadd.s32 s6, s18;
	s6 =	sadd.s32 s27, s9;
	s9 =	sshrl.u32 s16, $0x2  }
0x8d: {  	s4 =	sadd.s32 s7, s18;
	s2 =	sadd.s32 s27, s15;
	s15 =	sshrl.u32 s14, $0x2  }
0x8e: {  	s14 =	sadd.s32 s9, s18;
	s7 =	sadd.s32 s15, s18;
	s15 =	sadd.s32 $0xFFFFFC00, s25  }
0x8f: {  	[tilespmem:s28+$0x0 ss:$0x81] =	vst.msk $0xffff, v1;
	v1 =	vld.idx.msk [tilespmem:v0+s17+$0x20 ss:$0x1], $0xffff;
	s16 =	sadd.s32 s27, s14;
	s14 =	sand.u32 $0x3C00, s15  }
0x90: {  	v2 =	vld.idx.msk [tilespmem:v0+s14+$0x70 ss:$0x1], $0xffff  }
0x91: {  	v3 =	vld.idx.msk [tilespmem:v0+s14+$0x0 ss:$0x1], $0xffff  }
0x92: {  	v4 =	vld.idx.msk [tilespmem:v0+s14+$0x10 ss:$0x1], $0xffff  }
0x93: {  	v5 =	vld.idx.msk [tilespmem:v0+s14+$0x20 ss:$0x1], $0xffff  }
0x94: {  	v6 =	vld.idx.msk [tilespmem:v0+s14+$0x30 ss:$0x1], $0xffff  }
0x95: {  	v7 =	vld.idx.msk [tilespmem:v0+s14+$0x40 ss:$0x1], $0xffff;
	[tilespmem:s8+$0x0 ss:$0x81] =	vst.msk $0xffff, v2  }
0x96: {  	s5 =	smul.u32 $0x204, s5;
	v8 =	vld.idx.msk [tilespmem:v0+s14+$0x50 ss:$0x1], $0xffff;
	[tilespmem:s28+$0x0 ss:$0x81] =	vst.msk $0xffff, v3  }
0x97: {  	p2 =	sgt.s32 s21, $0x100;
	s3 =	smul.u32 $0x204, s3;
	v9 =	vld.idx.msk [tilespmem:v0+s14+$0x60 ss:$0x1], $0xffff;
	[tilespmem:s29+$0x0 ss:$0x81] =	vst.msk $0xffff, v4  }
.Ltmp7:
0x98: {  	v4 =	vld.idx.msk [tilespmem:v0+s17+$0x10 ss:$0x1], $0xffff;
	[tilespmem:s30+$0x0 ss:$0x81] =	vst.msk $0xffff, v5;
	(pc) =	sbr.rel @!p2 .LBB1_7-.Ltmp7, $4  }
0x99: {  	s5 =	sshrl.u32 s5, $0x2;
	s3 =	sshrl.u32 s3, $0x2;
	[tilespmem:s1+$0x0 ss:$0x81] =	vst.msk $0xffff, v6;
	v2 =	vld.idx.msk [tilespmem:v0+s17+$0x30 ss:$0x1], $0xffff  }
0x9a: {  	s5 =	sadd.s32 s5, s18;
	s3 =	sadd.s32 s3, s18;
	[tilespmem:s31+$0x0 ss:$0x81] =	vst.msk $0xffff, v7;
	v3 =	vld.idx.msk [tilespmem:v0+s17+$0x40 ss:$0x1], $0xffff  }
0x9b: {  	s5 =	sadd.s32 s27, s5;
	s3 =	sadd.s32 s27, s3;
	s4 =	sadd.s32 s27, s4;
	[tilespmem:s0+$0x0 ss:$0x81] =	vst.msk $0xffff, v8;
	v5 =	vld.idx.msk [tilespmem:v0+s17+$0x50 ss:$0x1], $0xffff  }
0x9c: {  	s7 =	sadd.s32 s27, s7;
	s15 =	sadd.s32 $0x800, s25;
	s14 =	simm.s32 $0x100;
	[tilespmem:s3+$0x0 ss:$0x81] =	vst.msk $0xffff, v9;
	v6 =	vld.idx.msk [tilespmem:v0+s17+$0x60 ss:$0x1], $0xffff  }
.LBB1_6:
0x9d: {  	s9 =	sadd.s32 $0xFFFFFC00, s15;
	s14 =	sadd.s32 $0x100, s14;
	[tilespmem:s6+$0x0 ss:$0x81] =	vst.msk $0xffff, v4;
	v4 =	vld.idx.msk [tilespmem:v0+s17+$0x70 ss:$0x1], $0xffff;
	s17 =	sand.u32 $0x3C00, s15  }
0x9e: {  	s9 =	sand.u32 $0x3C00, s9;
	v7 =	vld.idx.msk [tilespmem:v0+s17+$0x0 ss:$0x1], $0xffff;
	p2 =	slt.s32 s14, s21;
	[tilespmem:s2+$0x0 ss:$0x81] =	vst.msk $0xffff, v1  }
0x9f: {  	v1 =	vld.idx.msk [tilespmem:v0+s9+$0x70 ss:$0x1], $0xffff;
	[tilespmem:s5+$0x0 ss:$0x81] =	vst.msk $0xffff, v2  }
0xa0: {  	v2 =	vld.idx.msk [tilespmem:v0+s9+$0x0 ss:$0x1], $0xffff;
	[tilespmem:s31+$0x0 ss:$0x81] =	vst.msk $0xffff, v3  }
0xa1: {  	v3 =	vld.idx.msk [tilespmem:v0+s9+$0x10 ss:$0x1], $0xffff;
	[tilespmem:s4+$0x0 ss:$0x81] =	vst.msk $0xffff, v5  }
0xa2: {  	v5 =	vld.idx.msk [tilespmem:v0+s9+$0x20 ss:$0x1], $0xffff;
	[tilespmem:s7+$0x0 ss:$0x81] =	vst.msk $0xffff, v6  }
0xa3: {  	v6 =	vld.idx.msk [tilespmem:v0+s9+$0x30 ss:$0x1], $0xffff;
	[tilespmem:s16+$0x0 ss:$0x81] =	vst.msk $0xffff, v4  }
0xa4: {  	v8 =	vld.idx.msk [tilespmem:v0+s9+$0x40 ss:$0x1], $0xffff;
	[tilespmem:s28+$0x0 ss:$0x81] =	vst.msk $0xffff, v7  }
0xa5: {  	v7 =	vld.idx.msk [tilespmem:v0+s9+$0x50 ss:$0x1], $0xffff;
	[tilespmem:s8+$0x0 ss:$0x81] =	vst.msk $0xffff, v1  }
0xa6: {  	[tilespmem:s28+$0x0 ss:$0x81] =	vst.msk $0xffff, v2;
	v9 =	vld.idx.msk [tilespmem:v0+s9+$0x60 ss:$0x1], $0xffff  }
0xa7: {  	[tilespmem:s29+$0x0 ss:$0x81] =	vst.msk $0xffff, v3;
	v4 =	vld.idx.msk [tilespmem:v0+s17+$0x10 ss:$0x1], $0xffff  }
.Ltmp8:
0xa8: {  	[tilespmem:s30+$0x0 ss:$0x81] =	vst.msk $0xffff, v5;
	v1 =	vld.idx.msk [tilespmem:v0+s17+$0x20 ss:$0x1], $0xffff;
	(pc) =	sbr.rel @p2 .LBB1_6-.Ltmp8, $4  }
0xa9: {  	[tilespmem:s1+$0x0 ss:$0x81] =	vst.msk $0xffff, v6;
	v2 =	vld.idx.msk [tilespmem:v0+s17+$0x30 ss:$0x1], $0xffff  }
0xaa: {  	[tilespmem:s31+$0x0 ss:$0x81] =	vst.msk $0xffff, v8;
	v3 =	vld.idx.msk [tilespmem:v0+s17+$0x40 ss:$0x1], $0xffff  }
0xab: {  	[tilespmem:s0+$0x0 ss:$0x81] =	vst.msk $0xffff, v7;
	v5 =	vld.idx.msk [tilespmem:v0+s17+$0x50 ss:$0x1], $0xffff  }
0xac: {  	s15 =	sadd.s32 $0x800, s15;
	[tilespmem:s3+$0x0 ss:$0x81] =	vst.msk $0xffff, v9;
	v6 =	vld.idx.msk [tilespmem:v0+s17+$0x60 ss:$0x1], $0xffff  }
.LBB1_7:
0xad: {  	_ =	sdelay $0x2  }
0xae: {  	[tilespmem:s6+$0x0 ss:$0x81] =	vst.msk $0xffff, v4  }
0xaf: {  	v0 =	vld.idx.msk [tilespmem:v0+s17+$0x70 ss:$0x1], $0xffff;
	[tilespmem:s2+$0x0 ss:$0x81] =	vst.msk $0xffff, v1  }
0xb0: {  	[tilespmem:s5+$0x0 ss:$0x81] =	vst.msk $0xffff, v2  }
0xb1: {  	[tilespmem:s31+$0x0 ss:$0x81] =	vst.msk $0xffff, v3  }
0xb2: {  	[tilespmem:s4+$0x0 ss:$0x81] =	vst.msk $0xffff, v5  }
0xb3: {  	[tilespmem:s7+$0x0 ss:$0x81] =	vst.msk $0xffff, v6  }
0xb4: {  	[tilespmem:s16+$0x0 ss:$0x81] =	vst.msk $0xffff, v0  }
.LBB1_8:
.Ltmp9:
0xb5: {  	(pc) =	sbr.rel @p1 .LBB1_11-.Ltmp9, $1  }
0xb6: {  	_ =	sdelay $0x3  }
0xb7: {  	s1 =	sand.u32 $0x380, s26;
	s0 =	sshrl.u32 s24, $0x4;
	s2 =	sadd.s32 s27, s18  }
0xb8: {  	s3 =	smov.u32 s23;
	s4 =	smov.u32 s21;
	s1 =	sadd.s32 s1, s22  }
.LBB1_10:
0xb9: {  	s5 =	sand.u32 $0x3C00, s3  }
0xba: {  	s5 =	sadd.s32 s26, s5  }
0xbb: {  	s5 =	sand.u32 $0x3C00, s5  }
0xbc: {  	s6 =	sand.u32 $0x70, s4;
	s30 =	sadd.s32 s4, s0;
	s5 =	sadd.s32 s5, s1  }
0xbd: {  	s4 =	sadd.s32 $0x10, s4;
	s31 =	sand.u32 $0x78, s30;
	s5 =	sadd.s32 s6, s5  }
0xbe: {  	p2 =	slt.s32 s4, s20;
	v0 =	vld [tilespmem:s5+$0x0];
	s5 =	smul.u32 $0x204, s31  }
.Ltmp10:
0xbf: {  	_ = 	snop;
	(pc) =	sbr.rel @p2 .LBB1_10-.Ltmp10, $4  }
0xc0: {  	_ = 	snop  }
0xc1: {  	s5 =	sshrl.u32 s5, $0x2  }
0xc2: {  	s5 =	sadd.s32 s5, s2  }
0xc3: {  	s3 =	sadd.s32 $0x80, s3;
	[tilespmem:s5+$0x0 ss:$0x81] =	vst.msk $0xffff, v0  }
.Ltmp11:
0xc4: {  	_ = 	snop;
	(pc) =	sbr.rel .LBB1_11-.Ltmp11, $1  }
0xc5: {  	_ =	sdelay $0x3  }
.LBB1_14:
0xc6: {  	_ =	sfence.sel $0x180000  }
0xc7: {  	s0 =	simm.s32 $0x1;
	[bflag:$0x0] =	sbarrier.arrive $0xFFFF  }
0xc8: {  	s30 =	simm.s32 $0x2;
	[sflag:s0] =	ssyncpa.u1 $0x1  }
0xc9: {  	[sflag:s30] =	ssyncpa.u1 $0x1  }
0xca: {  	_ =	strace $0x90000047  }
0xcb: {  	s31 =	stileid.u32;
	[bflag:$0x2] =	sbarrier.arrive $0xFFFF  }
0xcc: {  	p0 =	sne.s32 s31, $0x0;
	s0 =	rddreg [dreg:$0x2]  }
0xcd: {  	s0 =	sadd.s32 @!p0 $0x100000, s0  }
0xce: {  	[sflag:s0] =	ssyncadd.tile.s32 @!p0 $0x1;
	_ =	shalt  }
.Lfunc_end1:
_tile_overlayer_lowered:
.L_overlay_start_2:
0xcf: {  	(tag) =	ssettag $0x2  }
0xd0: {  	s0 =	rddreg [dreg:$0x0];
	s2 =	stileid.u32  }
0xd1: {  	s1 =	rddreg [dreg:$0x1];
	p0 =	sne.s32 s2, $0x0  }
0xd2: {  	s3 =	rddreg [dreg:$0x2];
	[bflag:$0x3] =	sbarrier.arrive $0xFFFF;
	s2 =	simm.s32 @!p0 $0x1C01  }
0xd3: {  	[timem:s3], [sflag:s2] =	dma.local @!p0 [hbm:s0], s1  }
0xd4: {  	s0 =	simm.s32 @!p0 $0x1  }
0xd5: {  	_ =	swait.ge @!p0 [sflag:s0], s1  }
0xd6: {  	s1 =	ssub.s32 @!p0 $0x0, s1;
	[sflag:s0] =	ssyncset.done @!p0 $0x0  }
0xd7: {  	[sflag:s0] =	ssyncadd.s32 @!p0 s1  }
0xd8: {  	[bflag:$0x3] =	sbarrier.arrive $0xFFFF  }
0xd9: {  	_ =	shalt  }

</sc_bundles>
